<compile_context>
chip_gen: v7x
topology: tpu7x:2x2x1
jax: 0.10.2.dev20260603
libtpu: 0.0.44.dev20260713+nightly
codegen_flags: <defaults>
</compile_context>

<pallas_src>
import functools

import jax
import jax.numpy as jnp
import jax.lax as lax
import numpy as np
from jax.experimental import pallas as pl
from jax.experimental.pallas import tpu as pltpu
from jax.experimental.pallas import tpu_sc as plsc

_B = 2
_N = 16384
_IN_C = 1
_NUM_CLASSES = 3
_NUM_POINTS = (4096, 1024, 512)
_SAMPLING = ("d-fps", "ctr_aware", "ctr_aware")
_NEIGHBORS = ((16, 32), (16, 32), (16, 32))
_RADII = ((0.2, 0.8), (0.8, 1.6), (1.6, 4.8))
_IN_LIST = (_IN_C, 64, 128)


def _gather_rows(x, idx):
    return jax.vmap(lambda xb, ib: xb[ib])(x, idx)




def _fps_body(npoint, n_rows, x_ref, o_ref):
    rows = n_rows
    iota_r = lax.broadcasted_iota(jnp.int32, (rows, 128), 0)
    iota_c = lax.broadcasted_iota(jnp.int32, (rows, 128), 1)
    gidx = iota_r * 128 + iota_c
    lane = lax.broadcasted_iota(jnp.int32, (1, 128), 1)

    x = x_ref[0, 0, :, :]
    y = x_ref[0, 1, :, :]
    z = x_ref[0, 2, :, :]

    def body(i, carry):
        dist, far = carry
        r = far // 128
        c = far % 128
        lmask = lane == c
        cx = jnp.sum(jnp.where(lmask, x_ref[0, 0, pl.ds(r, 1), :], 0.0))
        cy = jnp.sum(jnp.where(lmask, x_ref[0, 1, pl.ds(r, 1), :], 0.0))
        cz = jnp.sum(jnp.where(lmask, x_ref[0, 2, pl.ds(r, 1), :], 0.0))
        crow = jnp.where(lane == 0, cx,
                         jnp.where(lane == 1, cy,
                                   jnp.where(lane == 2, cz, 0.0)))
        o_ref[0, pl.ds(i, 1), :] = crow
        dx = x - cx
        dy = y - cy
        dz = z - cz
        d = dx * dx + dy * dy + dz * dz
        dist = jnp.minimum(dist, d)
        m = jnp.max(dist)
        far2 = jnp.min(jnp.where(dist == m, gidx, jnp.int32(1 << 30)))
        return dist, far2

    dist0 = jnp.full((rows, 128), 1e10, jnp.float32)
    lax.fori_loop(0, npoint, body, (dist0, jnp.int32(0)))


def _fps_body2(npoint, n_rows, nb, x_ref, o_ref):
    rows = n_rows
    iota_r = lax.broadcasted_iota(jnp.int32, (rows, 128), 0)
    iota_c = lax.broadcasted_iota(jnp.int32, (rows, 128), 1)
    gidx = iota_r * 128 + iota_c
    lane = lax.broadcasted_iota(jnp.int32, (1, 128), 1)
    xs = [(x_ref[bi, 0, :, :], x_ref[bi, 1, :, :], x_ref[bi, 2, :, :])
          for bi in range(nb)]

    def body(i, carry):
        dists, fars = carry
        new_dists = []
        new_fars = []
        for bi in range(nb):
            dist = dists[bi]
            far = fars[bi]
            x, y, z = xs[bi]
            r = far // 128
            c = far % 128
            lmask = lane == c
            cx = jnp.sum(jnp.where(lmask, x_ref[bi, 0, pl.ds(r, 1), :], 0.0))
            cy = jnp.sum(jnp.where(lmask, x_ref[bi, 1, pl.ds(r, 1), :], 0.0))
            cz = jnp.sum(jnp.where(lmask, x_ref[bi, 2, pl.ds(r, 1), :], 0.0))
            crow = jnp.where(lane == 0, cx,
                             jnp.where(lane == 1, cy,
                                       jnp.where(lane == 2, cz, 0.0)))
            o_ref[bi, pl.ds(i, 1), :] = crow
            dx = x - cx
            dy = y - cy
            dz = z - cz
            d = dx * dx + dy * dy + dz * dz
            dist = jnp.minimum(dist, d)
            m = jnp.max(dist)
            far2 = jnp.min(jnp.where(dist == m, gidx, jnp.int32(1 << 30)))
            new_dists.append(dist)
            new_fars.append(far2)
        return tuple(new_dists), tuple(new_fars)

    dist0 = jnp.full((rows, 128), 1e10, jnp.float32)
    lax.fori_loop(0, npoint, body,
                  (tuple(dist0 for _ in range(nb)),
                   tuple(jnp.int32(0) for _ in range(nb))))


def _fps_pallas(points, npoint):
    b, n, _ = points.shape
    rows = n // 128
    pts = jnp.transpose(points, (0, 2, 1)).reshape(b, 3, rows, 128)
    out = pl.pallas_call(
        functools.partial(_fps_body2, npoint, rows, b),
        in_specs=[pl.BlockSpec((b, 3, rows, 128), lambda: (0, 0, 0, 0))],
        out_specs=pl.BlockSpec((b, npoint, 128), lambda: (0, 0, 0)),
        out_shape=jax.ShapeDtypeStruct((b, npoint, 128), jnp.float32),
    )(pts)
    return out[:, :, :3]


def _fps(xyz, npoint):
    b, n, _ = xyz.shape

    def body(i, state):
        cent, dist, far = state
        cent = cent.at[:, i].set(far)
        c = jnp.take_along_axis(xyz, far[:, None, None], axis=1)
        d = jnp.sum((xyz - c) ** 2, -1)
        dist = jnp.minimum(dist, d)
        far = jnp.argmax(dist, -1).astype(jnp.int32)
        return cent, dist, far

    cent = jnp.zeros((b, npoint), jnp.int32)
    dist = jnp.full((b, n), 1e10, jnp.float32)
    far = jnp.zeros((b,), jnp.int32)
    cent, _, _ = lax.fori_loop(0, npoint, body, (cent, dist, far))
    return cent




def _bq_mask_body(nc, r0sq, r1sq, nchunks, q_ref, p_ref,
                  w0_ref, w1_ref, c0_ref, c1_ref, cs_ref):
    wc = nc // 16
    qx = q_ref[0, :, 0:1]
    qy = q_ref[0, :, 1:2]
    qz = q_ref[0, :, 2:3]
    jidx = lax.broadcasted_iota(jnp.int32, (nc, wc), 0)
    widx = lax.broadcasted_iota(jnp.int32, (nc, wc), 1)
    blk = jidx // 16 == widx
    packm = jnp.where(blk, (jnp.int32(1) << (jidx % 16)), 0).astype(jnp.bfloat16)
    onesm = jnp.where(blk, 1, 0).astype(jnp.bfloat16)
    ta = lax.broadcasted_iota(jnp.int32, (wc, wc), 0)
    tb = lax.broadcasted_iota(jnp.int32, (wc, wc), 1)
    tri = jnp.where(ta <= tb, 1, 0).astype(jnp.bfloat16)

    cs_ref[:, :] = jnp.zeros((128, 2), jnp.float32)

    def chunk(k, _):
        base = pl.multiple_of(k * nc, nc)
        px = p_ref[0, 0:1, pl.ds(base, nc)]
        py = p_ref[0, 1:2, pl.ds(base, nc)]
        pz = p_ref[0, 2:3, pl.ds(base, nc)]
        dx = qx - px
        dy = qy - py
        dz = qz - pz
        d = dx * dx + dy * dy + dz * dz
        v0 = (d <= r0sq).astype(jnp.bfloat16)
        v1 = (d <= r1sq).astype(jnp.bfloat16)
        w0 = jax.lax.dot(v0, packm, preferred_element_type=jnp.float32)
        w1 = jax.lax.dot(v1, packm, preferred_element_type=jnp.float32)
        pc0 = jax.lax.dot(v0, onesm, preferred_element_type=jnp.float32)
        pc1 = jax.lax.dot(v1, onesm, preferred_element_type=jnp.float32)
        c0 = jax.lax.dot(pc0.astype(jnp.bfloat16), tri,
                         preferred_element_type=jnp.float32) + cs_ref[:, 0:1]
        c1 = jax.lax.dot(pc1.astype(jnp.bfloat16), tri,
                         preferred_element_type=jnp.float32) + cs_ref[:, 1:2]
        obase = pl.multiple_of(k * wc, wc)
        w0_ref[0, :, pl.ds(obase, wc)] = w0.astype(jnp.int32)
        w1_ref[0, :, pl.ds(obase, wc)] = w1.astype(jnp.int32)
        c0_ref[0, :, pl.ds(obase, wc)] = c0.astype(jnp.int32)
        c1_ref[0, :, pl.ds(obase, wc)] = c1.astype(jnp.int32)
        cs_ref[:, 0:1] = c0[:, wc - 1:wc]
        cs_ref[:, 1:2] = c1[:, wc - 1:wc]
        return 0

    lax.fori_loop(0, nchunks, chunk, 0)


def _bq_masks(new_xyz, pts_t, r0, r1):
    b, m, _ = new_xyz.shape
    n = pts_t.shape[-1]
    nc = min(n, 2048)
    nchunks = n // nc
    w = n // 16
    r0sq = np.float32(r0 * r0)
    r1sq = np.float32(r1 * r1)
    shp = jax.ShapeDtypeStruct((b, m, w), jnp.int32)
    out = pl.pallas_call(
        functools.partial(_bq_mask_body, nc, r0sq, r1sq, nchunks),
        grid=(b, m // 128),
        in_specs=[
            pl.BlockSpec((1, 128, 3), lambda i, j: (i, j, 0)),
            pl.BlockSpec((1, 3, n), lambda i, j: (i, 0, 0)),
        ],
        out_specs=[
            pl.BlockSpec((1, 128, w), lambda i, j: (i, j, 0)),
            pl.BlockSpec((1, 128, w), lambda i, j: (i, j, 0)),
            pl.BlockSpec((1, 128, w), lambda i, j: (i, j, 0)),
            pl.BlockSpec((1, 128, w), lambda i, j: (i, j, 0)),
        ],
        out_shape=[shp, shp, shp, shp],
        scratch_shapes=[pltpu.VMEM((128, 2), jnp.float32)],
    )(new_xyz, pts_t)
    flat = [x.reshape(b * m * w) for x in out]
    return (flat[0], flat[2]), (flat[1], flat[3])




def _bq_extract_sc(wc_pair, ns, w, m_per_batch, n_pts):
    words_flat, c_flat = wc_pair
    rows = words_flat.shape[0] // w
    mesh = plsc.VectorSubcoreMesh(core_axis_name="c", subcore_axis_name="s")
    info = plsc.get_sparse_core_info()
    nw = info.num_cores * info.num_subcores
    qpw = rows // nw
    lanes = min(1024, qpw * ns)
    nch = lanes // 128
    qb = lanes // ns
    nbatches = qpw // qb
    log2ns = ns.bit_length() - 1
    log2m = m_per_batch.bit_length() - 1
    strides = []
    st = w // 2
    while st >= 1:
        strides.append(st)
        st //= 2

    @functools.partial(
        pl.kernel, mesh=mesh,
        out_type=jax.ShapeDtypeStruct((rows * ns,), jnp.int32),
        scratch_types=[
            pltpu.VMEM((nch, 128), jnp.int32),
            pltpu.VMEM((nch, 128), jnp.int32),
            pltpu.VMEM((lanes,), jnp.int32),
            pltpu.VMEM((lanes,), jnp.int32),
            pltpu.VMEM((lanes,), jnp.int32),
            pltpu.VMEM((lanes,), jnp.int32),
            pltpu.VMEM((lanes,), jnp.int32),
            pltpu.SemaphoreType.DMA,
        ],
    )
    def k(wf, cf, out, idxb, gbuf, posb, cbb, seb, tbb, obuf, sem):
        wid = lax.axis_index("s") * info.num_cores + lax.axis_index("c")
        base_q = wid * qpw
        lane = lax.iota(jnp.int32, 16)
        nv = lanes // 16

        def gather_round(src):
            cps = [pltpu.async_copy(src.at[idxb.at[c]], gbuf.at[c], sem)
                   for c in range(nch)]
            for cp in cps:
                cp.wait()

        def batch(bi, _):
            q0 = base_q + bi * qb

            def init_idx(v, _):
                fp = v * 16 + lane
                iq = fp >> log2ns
                idxb[v // 8, pl.ds((v % 8) * 16, 16)] = (q0 + iq) * w + (w - 1)
                return 0

            lax.fori_loop(0, nv, init_idx, 0)
            gather_round(cf)

            def init2(v, _):
                fp = v * 16 + lane
                s = fp & (ns - 1)
                tt = gbuf[v // 8, pl.ds((v % 8) * 16, 16)]
                se = jnp.maximum(0, jnp.minimum(s, tt - 1))
                seb[pl.ds(v * 16, 16)] = se
                tbb[pl.ds(v * 16, 16)] = tt
                posb[pl.ds(v * 16, 16)] = jnp.zeros((16,), jnp.int32)
                cbb[pl.ds(v * 16, 16)] = jnp.zeros((16,), jnp.int32)
                return 0

            lax.fori_loop(0, nv, init2, 0)

            for stv in strides:
                def mkidx(v, _):
                    fp = v * 16 + lane
                    iq = fp >> log2ns
                    npos = posb[pl.ds(v * 16, 16)] + stv
                    idxb[v // 8, pl.ds((v % 8) * 16, 16)] = \
                        (q0 + iq) * w + npos - 1
                    return 0

                lax.fori_loop(0, nv, mkidx, 0)
                gather_round(cf)

                def upd(v, _):
                    cv = gbuf[v // 8, pl.ds((v % 8) * 16, 16)]
                    se = seb[pl.ds(v * 16, 16)]
                    pos = posb[pl.ds(v * 16, 16)]
                    ok = cv <= se
                    posb[pl.ds(v * 16, 16)] = jnp.where(ok, pos + stv, pos)
                    cb = cbb[pl.ds(v * 16, 16)]
                    cbb[pl.ds(v * 16, 16)] = jnp.where(ok, cv, cb)
                    return 0

                lax.fori_loop(0, nv, upd, 0)

            def widx(v, _):
                fp = v * 16 + lane
                iq = fp >> log2ns
                pos = posb[pl.ds(v * 16, 16)]
                idxb[v // 8, pl.ds((v % 8) * 16, 16)] = (q0 + iq) * w + pos
                return 0

            lax.fori_loop(0, nv, widx, 0)
            gather_round(wf)

            def fin(v, _):
                word = gbuf[v // 8, pl.ds((v % 8) * 16, 16)]
                se = seb[pl.ds(v * 16, 16)]
                cb = cbb[pl.ds(v * 16, 16)]
                pos = posb[pl.ds(v * 16, 16)]
                tt = tbb[pl.ds(v * 16, 16)]
                kloc = se - cb
                for t in range(15):
                    word = jnp.where(t < kloc, word & (word - 1), word)
                bb = word & (-word)
                ee = (jnp.where((bb & 0xAAAA) != 0, 1, 0)
                      + jnp.where((bb & 0xCCCC) != 0, 2, 0)
                      + jnp.where((bb & 0xF0F0) != 0, 4, 0)
                      + jnp.where((bb & 0xFF00) != 0, 8, 0))
                fp = v * 16 + lane
                iq = fp >> log2ns
                row = q0 + iq
                fa = (row >> log2m) * n_pts
                val = pos * 16 + ee + fa
                obuf[pl.ds(v * 16, 16)] = jnp.where(tt > 0, val, fa)
                return 0

            lax.fori_loop(0, nv, fin, 0)
            pltpu.sync_copy(obuf, out.at[pl.ds(q0 * ns, lanes)])
            return 0

        lax.fori_loop(0, nbatches, batch, 0)

    return k(words_flat, c_flat)




def _mlp_pool_body(ns, cin, nlayers, h_ref, q_ref, *rest):
    w_refs = rest[:nlayers]
    b_refs = rest[nlayers:2 * nlayers]
    o_ref = rest[2 * nlayers]
    qb = h_ref.shape[0]
    hg = h_ref[...]
    q = q_ref[...]
    hx = hg[:, :, 0:3] - q[:, None, :]
    h = jnp.concatenate([hx, hg[:, :, 3:cin]], -1).reshape(qb * ns, cin)
    for i in range(nlayers):
        w = w_refs[i][...]
        b = b_refs[i][...]
        h = jnp.dot(h, w, preferred_element_type=jnp.float32) + b
        h = jnp.maximum(h, 0.0)
    c3 = h.shape[-1]
    o_ref[...] = jnp.max(h.reshape(qb, ns, c3), axis=1)


def _mlp_pool(h, q, cin, convs):
    rows, ns, dp = h.shape
    qb = 128
    nlayers = len(convs)
    wts = [jnp.transpose(c["W"]) for c in convs]
    bs = [c["b"][None, :] for c in convs]
    cout = convs[-1]["W"].shape[0]
    in_specs = [pl.BlockSpec((qb, ns, dp), lambda r: (r, 0, 0)),
                pl.BlockSpec((qb, 3), lambda r: (r, 0))]
    for w in wts:
        in_specs.append(pl.BlockSpec(w.shape, lambda r: (0, 0)))
    for b in bs:
        in_specs.append(pl.BlockSpec(b.shape, lambda r: (0, 0)))
    return pl.pallas_call(
        functools.partial(_mlp_pool_body, ns, cin, nlayers),
        grid=(rows // qb,),
        in_specs=in_specs,
        out_specs=pl.BlockSpec((qb, cout), lambda r: (r, 0)),
        out_shape=jax.ShapeDtypeStruct((rows, cout), jnp.float32),
    )(h, q, *wts, *bs)


def _matmul_relu_body(h_ref, w_ref, b_ref, o_ref):
    h = h_ref[...]
    o = jnp.dot(h, w_ref[...], preferred_element_type=jnp.float32) + b_ref[...]
    o_ref[...] = jnp.maximum(o, 0.0)


def _matmul_relu(h, w, b):
    rows, cin = h.shape
    qb = 256
    wt = jnp.transpose(w)
    cout = w.shape[0]
    return pl.pallas_call(
        _matmul_relu_body,
        grid=(rows // qb,),
        in_specs=[
            pl.BlockSpec((qb, cin), lambda r: (r, 0)),
            pl.BlockSpec(wt.shape, lambda r: (0, 0)),
            pl.BlockSpec((1, cout), lambda r: (0, 0)),
        ],
        out_specs=pl.BlockSpec((qb, cout), lambda r: (r, 0)),
        out_shape=jax.ShapeDtypeStruct((rows, cout), jnp.float32),
    )(h, wt, b[None, :])




def _sc_gather(table, idx):
    rt, d = table.shape
    r = idx.shape[0]
    mesh = plsc.VectorSubcoreMesh(core_axis_name="c", subcore_axis_name="s")
    info = plsc.get_sparse_core_info()
    nw = info.num_cores * info.num_subcores
    rpw = r // nw
    ch = min(128, rpw)
    nch = rpw // ch

    grp = 1
    for g in (4, 2, 1):
        if nch % g == 0:
            grp = g
            break

    @functools.partial(
        pl.kernel, mesh=mesh,
        out_type=jax.ShapeDtypeStruct((r, d), jnp.float32),
        scratch_types=[
            pltpu.VMEM((grp, ch), jnp.int32),
            pltpu.VMEM((grp, ch, d), jnp.float32),
            pltpu.SemaphoreType.DMA,
            pltpu.SemaphoreType.DMA,
            pltpu.SemaphoreType.DMA,
        ],
        compiler_params=pltpu.CompilerParams(use_tc_tiling_on_sc=False),
    )
    def k(tab, ih, out, idxv, rows_v, sem1, sem2, sem3):
        wid = lax.axis_index("s") * info.num_cores + lax.axis_index("c")
        base = wid * rpw

        def chunk(c, _):
            b0 = base + c * (ch * grp)
            cps = [pltpu.async_copy(ih.at[pl.ds(b0 + t * ch, ch)],
                                    idxv.at[t], sem1) for t in range(grp)]
            for cp in cps:
                cp.wait()
            cps = [pltpu.async_copy(tab.at[idxv.at[t]], rows_v.at[t], sem2)
                   for t in range(grp)]
            for cp in cps:
                cp.wait()
            cps = [pltpu.async_copy(rows_v.at[t],
                                    out.at[pl.ds(b0 + t * ch, ch)], sem3)
                   for t in range(grp)]
            for cp in cps:
                cp.wait()
            return 0

        lax.fori_loop(0, nch // grp, chunk, 0)

    return k(table, idx)


def _pad_table(x, dp):
    rt, d = x.shape
    if d == dp:
        return x
    return jnp.concatenate(
        [x, jnp.zeros((rt, dp - d), jnp.float32)], axis=-1)




def _topk_rank_body(jt, s_row_ref, s_col_ref, o_ref):
    b, ti, tj = pl.program_id(0), pl.program_id(1), pl.program_id(2)
    si = s_row_ref[0, :, :]
    sj = s_col_ref[0, :, :]
    ibase = ti * 128
    jbase = tj * jt
    iio = lax.broadcasted_iota(jnp.int32, (1, 128), 1) + ibase
    jio = lax.broadcasted_iota(jnp.int32, (jt, 1), 0) + jbase
    gt = (sj > si) | ((sj == si) & (jio < iio))
    cnt = jnp.sum(gt.astype(jnp.float32), axis=0, keepdims=True)
    prev = jnp.where(tj == 0, jnp.zeros((1, 128), jnp.float32), o_ref[0, :, :])
    o_ref[0, :, :] = prev + cnt


def _topk_sel_body(jt, m, rank_ref, o_ref):
    b, tp, tj = pl.program_id(0), pl.program_id(1), pl.program_id(2)
    rk = rank_ref[0, :, :]
    pio = lax.broadcasted_iota(jnp.int32, (1, 128), 1) + tp * 128
    ji = lax.broadcasted_iota(jnp.int32, (jt, 1), 0) + tj * jt + b * m
    hit = (rk == pio.astype(jnp.float32))
    contrib = jnp.sum(jnp.where(hit, ji.astype(jnp.float32), 0.0),
                      axis=0, keepdims=True)
    prev = jnp.where(tj == 0, jnp.zeros((1, 128), jnp.float32), o_ref[0, :, :])
    o_ref[0, :, :] = prev + contrib


def _topk_pallas(scores, k):
    b, m = scores.shape
    jt = 512
    s_row = scores[:, None, :]
    s_col = scores[:, :, None]
    rank = pl.pallas_call(
        functools.partial(_topk_rank_body, jt),
        grid=(b, m // 128, m // jt),
        in_specs=[
            pl.BlockSpec((1, 1, 128), lambda bb, i, j: (bb, 0, i)),
            pl.BlockSpec((1, jt, 1), lambda bb, i, j: (bb, j, 0)),
        ],
        out_specs=pl.BlockSpec((1, 1, 128), lambda bb, i, j: (bb, 0, i)),
        out_shape=jax.ShapeDtypeStruct((b, 1, m), jnp.float32),
    )(s_row, s_col)
    rank_col = jnp.transpose(rank, (0, 2, 1))
    sel = pl.pallas_call(
        functools.partial(_topk_sel_body, jt, m),
        grid=(b, k // 128, m // jt),
        in_specs=[
            pl.BlockSpec((1, jt, 1), lambda bb, p, j: (bb, j, 0)),
        ],
        out_specs=pl.BlockSpec((1, 1, 128), lambda bb, p, j: (bb, 0, p)),
        out_shape=jax.ShapeDtypeStruct((b, 1, k), jnp.float32),
    )(rank_col)
    return sel.reshape(b * k).astype(jnp.int32)


def _matmul_bias_body(h_ref, w_ref, b_ref, o_ref):
    h = h_ref[...]
    o_ref[...] = jnp.dot(h, w_ref[...],
                         preferred_element_type=jnp.float32) + b_ref[...]


def _matmul_bias(h, w, b):
    rows, cin = h.shape
    qb = 256
    wt = jnp.transpose(w)
    cout = w.shape[0]
    return pl.pallas_call(
        _matmul_bias_body,
        grid=(rows // qb,),
        in_specs=[
            pl.BlockSpec((qb, cin), lambda r: (r, 0)),
            pl.BlockSpec(wt.shape, lambda r: (0, 0)),
            pl.BlockSpec((1, cout), lambda r: (0, 0)),
        ],
        out_specs=pl.BlockSpec((qb, cout), lambda r: (r, 0)),
        out_shape=jax.ShapeDtypeStruct((rows, cout), jnp.float32),
    )(h, wt, b[None, :])


def _ball_query(dists, radius, nsample):
    n = dists.shape[-1]
    keyv = jnp.where(dists <= radius * radius,
                     jnp.arange(n, dtype=jnp.int32)[None, None, :], n)
    neg, _ = lax.top_k(-keyv, nsample)
    idx = -neg
    first = idx[:, :, :1]
    idx = jnp.where(idx == n, first, idx)
    idx = jnp.where(idx == n, 0, idx)
    return idx


def _identity_pallas(x):
    def body(x_ref, o_ref):
        o_ref[...] = x_ref[...]

    return pl.pallas_call(
        body,
        out_shape=jax.ShapeDtypeStruct(x.shape, x.dtype),
    )(x)


def _sa(points, feats_t, lp, li):
    npoint = _NUM_POINTS[li]
    b, n, _ = points.shape
    c = feats_t.shape[-1]
    cls_preds = None
    if _SAMPLING[li] == "ctr_aware":
        logits = _matmul_bias(feats_t.reshape(b * n, c),
                              lp["cls"]["W"], lp["cls"]["b"]).reshape(b, n, 3)
        scores = jnp.max(logits, -1)
        sel = _topk_pallas(scores, npoint)
        cls_preds = jnp.transpose(logits, (0, 2, 1))
        pts_pad = _pad_table(points.reshape(b * n, 3), 16)
        new_xyz = _sc_gather(pts_pad, sel)[:, :3].reshape(b, npoint, 3)
    else:
        new_xyz = _fps_pallas(lax.stop_gradient(points), npoint)
    pts_t3 = jnp.transpose(points, (0, 2, 1))
    words = _bq_masks(new_xyz, pts_t3, _RADII[li][0], _RADII[li][1])
    cin = 3 + c
    dp = -(-cin // 16) * 16
    tab = _pad_table(
        jnp.concatenate([points, feats_t], -1).reshape(b * n, cin), dp)
    q_flat = new_xyz.reshape(b * npoint, 3)
    outs = []
    for si, (r, ns) in enumerate(zip(_RADII[li], _NEIGHBORS[li])):
        flat = _bq_extract_sc(words[si], ns, n // 16, npoint, n)
        g = _sc_gather(tab, flat).reshape(b * npoint, ns, dp)
        pooled = _mlp_pool(g, q_flat, cin, lp["mlps"][si])
        outs.append(pooled)
    cat = jnp.concatenate(outs, -1)
    new_feat = _matmul_relu(cat, lp["agg"]["W"], lp["agg"]["b"])
    new_feat = new_feat.reshape(b, npoint, -1)
    return new_xyz, new_feat, cls_preds


def kernel(points, features, params):
    feats_t = jnp.transpose(features, (0, 2, 1))
    feats_t = _identity_pallas(feats_t)
    cls_list = []
    pts_list = []
    for li in range(3):
        ip = points
        points, feats_t, cp = _sa(points, feats_t, params["layers"][li], li)
        if cp is not None:
            cls_list.append(cp)
            pts_list.append(ip)
    return points, jnp.transpose(feats_t, (0, 2, 1)), cls_list, pts_list

# --- scband reference (transcript-rebuilt; emitter-appended) ---
"""Pipeline reference for scband-iassdencoder-32126355374239 (READ-ONLY COPY).

The authoritative reference and input builder live on the scoring server;
editing this copy changes nothing except your own understanding.
"""

import jax, jax.numpy as jnp
import jax.lax as lax
import numpy as np

B = 2; N = 16384; IN_C = 1; NUM_CLASSES = 3
NUM_POINTS = (4096, 1024, 512)
SAMPLING = ("d-fps", "ctr_aware", "ctr_aware")
NEIGHBORS = ((16, 32), (16, 32), (16, 32))
RADII = ((0.2, 0.8), (0.8, 1.6), (1.6, 4.8))
MLPS = (((16, 16, 32), (32, 32, 64)), ((64, 64, 128), (64, 96, 128)), ((128, 128, 256), (128, 256, 256)))
AGG = (64, 128, 256)
IN_LIST = (IN_C, 64, 128)


def setup_inputs(seed: int = 0) -> dict:
    key = jax.random.key(seed)
    kp, kf = jax.random.split(key, 2)
    points = jax.random.normal(kp, (B, N, 3), dtype=jnp.float32) * 10.0
    features = jax.random.normal(kf, (B, IN_C, N), dtype=jnp.float32)
    params = {"layers": []}
    cnt = 0
    for li in range(3):
        layer = {}
        mlps = []
        for sc in MLPS[li]:
            convs = []
            c_in = 3 + IN_LIST[li]
            for c_out in sc:
                W = jax.random.normal(jax.random.fold_in(key, cnt), (c_out, c_in), dtype=jnp.float32) * (1.0 / np.sqrt(c_in)); cnt += 1
                convs.append({"W": W, "b": jnp.zeros((c_out,), jnp.float32)})
                c_in = c_out
            mlps.append(convs)
        layer["mlps"] = mlps
        agg_in = sum(sc[-1] for sc in MLPS[li])
        W = jax.random.normal(jax.random.fold_in(key, cnt), (AGG[li], agg_in), dtype=jnp.float32) * (1.0 / np.sqrt(agg_in)); cnt += 1
        layer["agg"] = {"W": W, "b": jnp.zeros((AGG[li],), jnp.float32)}
        if SAMPLING[li] == "ctr_aware":
            Wc = jax.random.normal(jax.random.fold_in(key, cnt), (NUM_CLASSES, IN_LIST[li]), dtype=jnp.float32) * (1.0 / np.sqrt(IN_LIST[li])); cnt += 1
            layer["cls"] = {"W": Wc, "b": jnp.zeros((NUM_CLASSES,), jnp.float32)}
        else:
            layer["cls"] = None
        params["layers"].append(layer)
    return {"points": points, "features": features, "params": params}


def _gather(x, idx):
    return jax.vmap(lambda xb, ib: xb[ib])(x, idx)


def _fps(xyz, npoint):
    b, n, _ = xyz.shape
    def body(i, state):
        cent, dist, far = state
        cent = cent.at[:, i].set(far)
        c = jnp.take_along_axis(xyz, far[:, None, None], axis=1)
        d = jnp.sum((xyz - c) ** 2, -1)
        dist = jnp.minimum(dist, d)
        far = jnp.argmax(dist, -1).astype(jnp.int32)
        return cent, dist, far
    cent = jnp.zeros((b, npoint), jnp.int32)
    dist = jnp.full((b, n), 1e10, jnp.float32)
    far = jnp.zeros((b,), jnp.int32)
    cent, _, _ = lax.fori_loop(0, npoint, body, (cent, dist, far))
    return cent


def _ball_query(dists, radius, nsample):
    n = dists.shape[-1]
    keyv = jnp.where(dists <= radius * radius, jnp.arange(n, dtype=jnp.int32)[None, None, :], n)
    neg, _ = lax.top_k(-keyv, nsample)
    idx = -neg
    first = idx[:, :, :1]
    idx = jnp.where(idx == n, first, idx)
    idx = jnp.where(idx == n, 0, idx)
    return idx


def _sa(points, feats_t, lp, li):
    npoint = NUM_POINTS[li]
    cls_preds = None
    if SAMPLING[li] == "ctr_aware":
        logits = feats_t @ lp["cls"]["W"].T + lp["cls"]["b"]
        scores = jnp.max(logits, -1)
        idx = lax.top_k(lax.stop_gradient(scores), npoint)[1]
        cls_preds = jnp.transpose(logits, (0, 2, 1))
    else:
        idx = _fps(lax.stop_gradient(points), npoint)
    new_xyz = _gather(points, idx)
    dists = lax.stop_gradient(jnp.sum((new_xyz[:, :, None, :] - points[:, None, :, :]) ** 2, -1))
    outs = []
    for si, (r, ns) in enumerate(zip(RADII[li], NEIGHBORS[li])):
        nidx = _ball_query(dists, r, ns)
        g_xyz = _gather(points, nidx) - new_xyz[:, :, None, :]
        g_feat = _gather(feats_t, nidx)
        h = jnp.concatenate([g_xyz, g_feat], -1)
        for conv in lp["mlps"][si]:
            h = jax.nn.relu(h @ conv["W"].T + conv["b"])
        outs.append(jnp.max(h, axis=2))
    cat = jnp.concatenate(outs, -1)
    new_feat = jax.nn.relu(cat @ lp["agg"]["W"].T + lp["agg"]["b"])
    return new_xyz, new_feat, cls_preds


def reference(points, features, params):
    feats_t = jnp.transpose(features, (0, 2, 1))
    cls_list = []
    pts_list = []
    for li in range(3):
        ip = points
        points, feats_t, cp = _sa(points, feats_t, params["layers"][li], li)
        if cp is not None:
            cls_list.append(cp)
            pts_list.append(ip)
    return points, jnp.transpose(feats_t, (0, 2, 1)), cls_list, pts_list

if __name__ == "__main__":
    import jax
    _d = setup_inputs()
    print(jax.jit(kernel)(*tuple(_d.values())))

</pallas_src>

<mosaic_0001>
module attributes {stable_mosaic.version = 14 : i64} {
  func.func @body(%arg0: memref<2x16384x1xf32, #tpu.memory_space<vmem>>, %arg1: memref<2x16384x1xf32, #tpu.memory_space<vmem>>) attributes {dimension_semantics = [], scalar_prefetch = 0 : i64, scratch_operands = 0 : i64, tpu.core_type = #tpu.core_type<tc>} {
    %get3A = arith.constant 0 : index
    %get3A_0 = arith.constant 0 : index
    %get3A_1 = arith.constant 0 : index
    %get3A_2 = vector.load %arg0[%get3A, %get3A_0, %get3A_1] : memref<2x16384x1xf32, #tpu.memory_space<vmem>>, vector<2x16384x1xf32>
    %swap3A = arith.constant 0 : index
    %swap3A_3 = arith.constant 0 : index
    %swap3A_4 = arith.constant 0 : index
    %swap3A_5 = vector.load %arg1[%swap3A, %swap3A_3, %swap3A_4] : memref<2x16384x1xf32, #tpu.memory_space<vmem>>, vector<2x16384x1xf32>
    tpu.vector_store %arg1[%swap3A, %swap3A_3, %swap3A_4], %get3A_2 {strides = array<i32>} : memref<2x16384x1xf32, #tpu.memory_space<vmem>>, vector<2x16384x1xf32>,
    return
  }
}

</mosaic_0001>

<sc_bundles>
// kernel: gather_offload_async_start.1
scs
__scs_entry_jumppad:
0x0: {  	(pc) =	sbr.rel $0x88, $3  }
0x1: {  	(tag) =	ssettag $0x0;
	lr =	simm.s32 $0x1  }
0x2: {  	[smem:$0x3F71] =	sst lr;
	_ =	strace $0xD0000000  }
0x3: {  	_ = 	snop  }
0x4: {  	_ = 	snop  }
0x5: {  	_ = 	snop  }
0x6: {  	_ = 	snop  }
0x7: {  	_ = 	snop  }
__scs_overlays_trampoline_lowered:
0x8: {  	[smem:$0x3F80] =	sst s0  }
0x9: {  	[smem:$0x3F81] =	sst s1  }
0xa: {  	[smem:$0x3F82] =	sst s2  }
0xb: {  	[smem:$0x3F83] =	sst s3  }
0xc: {  	[smem:$0x3F84] =	sst s4  }
0xd: {  	[smem:$0x3F85] =	sst s5  }
0xe: {  	[smem:$0x3F86] =	sst s6  }
0xf: {  	[smem:$0x3F87] =	sst s7  }
0x10: {  	[smem:$0x3F88] =	sst s8  }
0x11: {  	[smem:$0x3F89] =	sst s9;
	s0 =	simm.s32 @!p0 $0x0  }
0x12: {  	s1 =	sld [smem:$0x3F6F];
	s0 =	simm.s32 @p0 $0x1  }
0x13: {  	[smem:$0x3F8A] =	sst s0;
	s0 =	simm.s32 @!p1 $0x0  }
0x14: {  	s2 =	sld [smem:$0x3F6E];
	s0 =	simm.s32 @p1 $0x1  }
0x15: {  	[smem:$0x3F8B] =	sst s0;
	s0 =	simm.s32 @!p2 $0x0  }
0x16: {  	s3 =	sld [smem:$0x3FDB];
	s0 =	simm.s32 @p2 $0x1  }
0x17: {  	s4 =	simm.s32 $0x1BF5;
	[smem:$0x3F8D] =	sst s0  }
0x18: {  	s0 =	sld [smem:$0x3F70];
	_ =	swait.ge [sflag:s4], $0x0  }
0x19: {  	s7 =	sld [smem:$0x3F71]  }
0x1a: {  	s8 =	sadd.s32 $0xFFFFE003, lr  }
0x1b: {  	s9 =	sadd.s32 $0xFFFFFEF7, lr;
	s5 =	simm.s32 $0xFFFFFFFF;
	p2 =	slt.u32 s8, $0xFFFFF086  }
0x1c: {  	p1 =	slt.u32 s9, $0xF7A;
	s5 =	simm.s32 @!p2 $0x0  }
0x1d: {  	s5 =	simm.s32 @p1 $0x1;
	p0 =	seq.s32 s7, s2  }
0x1e: {  	s7 =	smul.u32 @!p0 $0xF7A, s2;
	p2 =	seq.s32 @!p0 s5, $0x0  }
0x1f: {  	s9 =	smul.u32 $0xF7A, s1;
	s8 =	simm.s32 @!p0 $0x1BF5;
	p2 =	por !p2, p0  }
0x20: {  	[sflag:s8] =	ssyncset.s32 @!p0 $0xFFFFF086;
	s6 =	sadd.s32 @!p0 s3, s7;
	s7 =	simm.s32 @!p0 $0x108  }
0x21: {  	s3 =	sadd.s32 s3, s9;
	s6 =	sadd.s32 @!p0 $0x88, s6;
	s7 =	simm.s32 @p2 $0x1082  }
0x22: {  	[simem:s7], [sflag:s8] =	dma.local @!p0 [hbm:s6], $0xF7A  }
0x23: {  	s9 =	sor.u32 $0xD0000000, s2;
	s6 =	simm.s32 $0x108;
	_ =	swait.ge @!p0 [sflag:s8], $0x0  }
0x24: {  	s3 =	sadd.s32 $0x88, s3;
	s6 =	simm.s32 @!p1 $0x1082;
	[sflag:s4] =	ssyncset.s32 $0xFFFFF086  }
0x25: {  	[simem:s6], [sflag:s4] =	dma.local [hbm:s3], $0xF7A  }
0x26: {  	[smem:$0x3F71] =	sst s1;
	(tag) =	ssettag s2;
	_ =	strace s9  }
0x27: {  	s1 =	sld [smem:$0x3F81]  }
0x28: {  	s2 =	sld [smem:$0x3F82]  }
0x29: {  	s4 =	sld [smem:$0x3F84]  }
0x2a: {  	p0 =	seq.s32 s5, $0x0;
	s5 =	sld [smem:$0x3F85]  }
0x2b: {  	s6 =	sld [smem:$0x3F86]  }
0x2c: {  	s7 =	sld [smem:$0x3F87]  }
0x2d: {  	s3 =	simm.s32 $0x108;
	s8 =	sld [smem:$0x3F88]  }
0x2e: {  	s3 =	simm.s32 @!p0 $0x1082;
	s9 =	sld [smem:$0x3F89]  }
0x2f: {  	lr =	sadd.s32 s0, s3;
	s0 =	sld [smem:$0x3F80]  }
0x30: {  	s3 =	sld [smem:$0x3F83]  }
0x31: {  	[smem:$0x3F8C] =	sst s10  }
0x32: {  	s10 =	sld [smem:$0x3F8A];
	_ =	sdelay $0x3  }
0x33: {  	p0 =	seq.s32 s10, $0x1;
	s10 =	sld [smem:$0x3F8C];
	_ =	sdelay $0x3  }
0x34: {  	[smem:$0x3F8C] =	sst s10  }
0x35: {  	s10 =	sld [smem:$0x3F8B];
	_ =	sdelay $0x3  }
0x36: {  	p1 =	seq.s32 s10, $0x1;
	s10 =	sld [smem:$0x3F8C];
	_ =	sdelay $0x3  }
0x37: {  	[smem:$0x3F8C] =	sst s10  }
0x38: {  	s10 =	sld [smem:$0x3F8D]  }
0x39: {  	_ = 	snop;
	(pc) =	sbr.ind lr, $3  }
0x3a: {  	_ = 	snop  }
0x3b: {  	_ = 	snop  }
0x3c: {  	p2 =	seq.s32 s10, $0x1;
	s10 =	sld [smem:$0x3F8C]  }
0x3d: {  	_ =	shalt  }
0x3e: {  	_ =	shalt  }
0x3f: {  	_ =	shalt  }
0x40: {  	_ =	shalt  }
0x41: {  	_ =	shalt  }
0x42: {  	_ =	shalt  }
0x43: {  	_ =	shalt  }
0x44: {  	_ =	shalt  }
0x45: {  	_ =	shalt  }
0x46: {  	_ =	shalt  }
0x47: {  	_ =	shalt  }
0x48: {  	_ =	shalt  }
0x49: {  	_ =	shalt  }
0x4a: {  	_ =	shalt  }
0x4b: {  	_ =	shalt  }
0x4c: {  	_ =	shalt  }
0x4d: {  	_ =	shalt  }
0x4e: {  	_ =	shalt  }
0x4f: {  	_ =	shalt  }
0x50: {  	_ =	shalt  }
0x51: {  	_ =	shalt  }
0x52: {  	_ =	shalt  }
0x53: {  	_ =	shalt  }
0x54: {  	_ =	shalt  }
0x55: {  	_ =	shalt  }
0x56: {  	_ =	shalt  }
0x57: {  	_ =	shalt  }
0x58: {  	_ =	shalt  }
0x59: {  	_ =	shalt  }
0x5a: {  	_ =	shalt  }
0x5b: {  	_ =	shalt  }
0x5c: {  	_ =	shalt  }
0x5d: {  	_ =	shalt  }
0x5e: {  	_ =	shalt  }
0x5f: {  	_ =	shalt  }
0x60: {  	_ =	shalt  }
0x61: {  	_ =	shalt  }
0x62: {  	_ =	shalt  }
0x63: {  	_ =	shalt  }
0x64: {  	_ =	shalt  }
0x65: {  	_ =	shalt  }
0x66: {  	_ =	shalt  }
0x67: {  	_ =	shalt  }
0x68: {  	_ =	shalt  }
0x69: {  	_ =	shalt  }
0x6a: {  	_ =	shalt  }
0x6b: {  	_ =	shalt  }
0x6c: {  	_ =	shalt  }
0x6d: {  	_ =	shalt  }
0x6e: {  	_ =	shalt  }
0x6f: {  	_ =	shalt  }
0x70: {  	_ =	shalt  }
0x71: {  	_ =	shalt  }
0x72: {  	_ =	shalt  }
0x73: {  	_ =	shalt  }
0x74: {  	_ =	shalt  }
0x75: {  	_ =	shalt  }
0x76: {  	_ =	shalt  }
0x77: {  	_ =	shalt  }
0x78: {  	_ =	shalt  }
0x79: {  	_ =	shalt  }
0x7a: {  	_ =	shalt  }
0x7b: {  	_ =	shalt  }
0x7c: {  	_ =	shalt  }
0x7d: {  	_ =	shalt  }
0x7e: {  	_ =	shalt  }
0x7f: {  	_ =	shalt  }
0x80: {  	_ =	shalt  }
0x81: {  	_ =	shalt  }
0x82: {  	_ =	shalt  }
0x83: {  	_ =	shalt  }
0x84: {  	_ =	shalt  }
0x85: {  	_ =	shalt  }
0x86: {  	_ =	shalt  }
0x87: {  	_ =	shalt  }
.Lfunc_end0:
.L_simem_size_0:
called_computation.1_lowered:
.L_overlay_start_0:
0x88: {  	s2 =	sld [smem:$0x3FD9]  }
0x89: {  	s3 =	sld [smem:$0x3FFE];
	_ =	sdelay $0x1  }
0x8a: {  	s1 =	srdreg.scid  }
0x8b: {  	s0 =	sand.u32 $0x1, s1  }
0x8c: {  	s14 =	sshll.u32 s0, $0xA;
	s2 =	sadd.s32 s3, s2  }
0x8d: {  	s2 =	sadd.s32 s2, s14  }
0x8e: {  	[smem:$0x3F98] =	sst s2  }
0x8f: {  	_ = 	snop  }
0x90: {  	s2 =	sld [smem:$0x3FD0];
	_ =	sdelay $0x2  }
0x91: {  	s15 =	simm.s32 $0xA;
	s4 =	simm.s32 $0x10  }
0x92: {  	[smem:s4], [sflag:s15] =	dma.local [hbm:s2], $0x1  }
0x93: {  	_ =	swait.eq [sflag:s15], $0x1  }
0x94: {  	[sflag:s15] =	ssyncset.done $0x0  }
0x95: {  	s16 =	sld [smem:$0x10];
	[sflag:s15] =	ssyncadd.s32 $0xFFFFFFFF  }
0x96: {  	s17 =	sld [smem:$0x11];
	(tm) =	ssettm $0x1  }
0x97: {  	s18 =	sld [smem:$0x3FFB];
	_ =	sdelay $0x3  }
0x98: {  	_ =	strace s18  }
0x99: {  	s4 =	sld [smem:$0x3FFC];
	_ =	sdelay $0x3  }
0x9a: {  	_ =	strace s4  }
0x9b: {  	s4 =	sld [smem:$0x3FFD];
	_ =	sdelay $0x3  }
0x9c: {  	_ =	strace s4  }
0x9d: {  	_ =	strace $0x8FFFFFFF  }
0x9e: {  	s19 =	sld [smem:$0x3FDB];
	_ =	sdelay $0x1  }
0x9f: {  	s5 =	simm.s32 $_scs_section_size  }
0xa0: {  	s6 =	simm.s32 $_size__tile_overlayer_lowered;
	s7 =	simm.s32 $_tile_overlayer_lowered  }
0xa1: {  	s22 =	simm.s32 $0x1BFF;
	s21 =	sshll.u32 s7, $0x1;
	s4 =	sadd.s32 s5, s19  }
0xa2: {  	s8 =	simm.s32 $0x0;
	s20 =	sshll.u32 s6, $0x1;
	s6 =	sadd.s32 s21, s4  }
0xa3: {  	[timem:s8], [sflag:s22] =	dma.local [hbm:s6], s20  }
0xa4: {  	_ =	swait.ge [sflag:s22], s20  }
0xa5: {  	s5 =	ssub.s32 $0x0, s20;
	[sflag:s22] =	ssyncset.done $0x0  }
0xa6: {  	[sflag:s22] =	ssyncadd.s32 s5;
	_ =	sdelay $0x1  }
0xa7: {  	s23 =	simm.s32 $0x1B8B  }
0xa8: {  	_ =	swait.ge [sflag:s23], $0x1  }
0xa9: {  	[sflag:s23] =	ssyncset.done $0x0  }
0xaa: {  	s25 =	simm.s32 $0x1B8E;
	s24 =	sld [smem:$0x3FFE];
	[sflag:s23] =	ssyncadd.s32 $0xFFFFFFFF  }
0xab: {  	s26 =	simm.s32 $execute0_lowered;
	[smem:$0x3FD2] =	sst s25  }
0xac: {  	s6 =	sshll.u32 s26, $0x1;
	_ =	strace $0x80000049;
	[dreg:$0x1] =	wrdreg $0xFFFFFFFF  }
0xad: {  	s28 =	simm.s32 $_size_execute0_lowered;
	s4 =	sadd.s32 s4, s6;
	[dreg:$0x0] =	wrdreg $0x0  }
0xae: {  	s6 =	sshll.u32 s28, $0x1;
	[dreg:$0x2] =	wrdreg s4  }
0xaf: {  	[dreg:$0x3] =	wrdreg s6  }
0xb0: {  	[dreg:$0x4] =	wrdreg $0xC0  }
0xb1: {  	_ =	task [dreg:s8], $0x5FFFF  }
0xb2: {  	[dreg:$0x1] =	wrdreg $0xFFFFFFFF  }
0xb3: {  	[dreg:$0x0] =	wrdreg $0x60  }
0xb4: {  	[dreg:$0x2] =	wrdreg s24  }
0xb5: {  	[dreg:$0x3] =	wrdreg s16  }
0xb6: {  	[dreg:$0x4] =	wrdreg s17  }
0xb7: {  	[dreg:$0x5] =	wrdreg $0x9  }
0xb8: {  	_ =	task.clear_ibuf [dreg:s8], $0x6FFFF;
	_ =	strace $0x90000049  }
0xb9: {  	s29 =	simm.s32 $0x9;
	_ =	strace $0x8000004B  }
0xba: {  	_ =	swait.ge [sflag:s29], $0x1  }
0xbb: {  	[sflag:s29] =	ssyncadd.s32 $0xFFFFFFFF  }
0xbc: {  	_ =	strace $0x9000004B  }
0xbd: {  	_ =	sfence  }
0xbe: {  	s30 =	sld [smem:$0x0];
	_ =	sdelay $0x2  }
0xbf: {  	s31 =	sshll.u32 s1, $0xD;
	s1 =	sshrl.u32 s1, $0x2  }
0xc0: {  	s3 =	sand.u32 $0x4000, s31;
	s1 =	sadd.s32 s1, s30  }
0xc1: {  	s0 =	sor.u32 s3, s0;
	s1 =	sshll.u32 s1, $0x11  }
0xc2: {  	s0 =	sor.u32 s1, s0  }
0xc3: {  	s0 =	sadd.s32 $0x8F2B, s0  }
0xc4: {  	[sflag:s0] =	ssyncadd.remote.s32 $0x1  }
0xc5: {  	_ =	sfence.sel $0xFFFF  }
0xc6: {  	[dreg:$0x0] =	wrdreg $0xFFFFFFFF;
	(pc) =	sbr.abs _section_cstart, $3  }
0xc7: {  	[dreg:$0x1] =	wrdreg $0xFFFFFFFF  }
0xc8: {  	_ =	task.clear_ibuf [dreg:s8], $0x2FFFF;
	_ =	strace $0x9FFFFFFF  }
0xc9: {  	(tm) =	ssettm $0x7FFFFFFF  }
tec
execute0_lowered:
.L_overlay_start_1:
0x0: {  	(tag) =	ssettag $0x1  }
0x1: {  	s7 =	rddreg [dreg:$0x0]  }
0x2: {  	s2 =	rddreg [dreg:$0x1]  }
0x3: {  	s3 =	rddreg [dreg:$0x2]  }
0x4: {  	s0 =	rddreg [dreg:$0x3];
	s1 =	srdreg.scid;
	_ =	strace $0x8000004A  }
0x5: {  	s4 =	simm.s32 $0x1;
	s9 =	simm.s32 $0x3;
	s5 =	sshll.u32 s1, $0x4  }
.Ltmp0:
0x6: {  	s1 =	stileid.u32;
	s5 =	sand.u32 $0x10, s5;
	(pc) =	sbr.rel .LBB2_1-.Ltmp0, $4  }
0x7: {  	s12 =	simm.s32 $0x0;
	s10 =	simm.s32 $0x0;
	s6 =	sor.u32 s1, s5  }
0x8: {  	[sflag:s4] =	ssyncpa.u1 $0x0;
	s5 =	simm.s32 $0x2;
	s6 =	sshll.u32 s6, $0x6  }
0x9: {  	s7 =	sadd.s32 $0x80000, s7;
	[sflag:s5] =	ssyncpa.u1 $0x0;
	s8 =	sadd.s32 $0x40, s6  }
0xa: {  	vm0 =	vmmov $0xff;
	vm1 =	vcmask $0x3F20;
	[sflag:s9] =	ssyncpa.u1 $0x0;
	s9 =	simm.s32 $0x40;
	s11 =	smov.u32 s6  }
.LBB2_9:
0xb: {  	p0 =	seq.s32 s10, $0x2  }
.Ltmp1:
0xc: {  	_ = 	snop;
	(pc) =	sbr.rel @p0 .LBB2_11-.Ltmp1, $1  }
0xd: {  	_ =	sdelay $0x3  }
.LBB2_10:
0xe: {  	s12 =	sadd.s32 $0x40, s11  }
0xf: {  	s13 =	smov.u32 s6;
	p0 =	slt.s32 s12, s8  }
0x10: {  	s13 =	smov.u32 @p0 s12  }
0x11: {  	s10 =	sadd.s32 $0x1, s10;
	s12 =	smov.u32 s11;
	s11 =	smov.u32 s13  }
.LBB2_1:
0x12: {  	p0 =	sne.s32 s10, $0x0  }
.Ltmp2:
0x13: {  	_ = 	snop;
	(pc) =	sbr.rel @!p0 .LBB2_2-.Ltmp2, $1  }
0x14: {  	_ =	sdelay $0x3  }
0x15: {  	s13 =	sand.u32 $0x1, s10  }
0x16: {  	p0 =	seq.s32 s13, $0x0  }
.Ltmp3:
0x17: {  	_ = 	snop;
	(pc) =	sbr.rel @p0 .LBB2_9-.Ltmp3, $1  }
0x18: {  	_ =	sdelay $0x3  }
0x19: {  	_ =	swait.ge [sflag:s5], $0x40  }
0x1a: {  	[sflag:s5] =	ssyncset.done $0x0  }
0x1b: {  	s13 =	simm.s32 $0x0;
	[sflag:s5] =	ssyncadd.s32 $0xFFFFFFC0  }
0x1c: {  	v0 =	vld.msk [tilespmem:s13+$0x40 ss:$0x1], $0xffff;
	_ =	sdelay $0x4  }
0x1d: {  	v1 =	vshll.u32 v0, $0x6  }
0x1e: {  	vm2 =	veq.s32 v0, $0x80000000;
	v0 =	vshll.u32 v0, $0x13;
	v1 =	vand.u32 $0x7FF80, v1  }
0x1f: {  	v0 =	vand.u32 $0x80000, v0;
	v1 =	vsel vm2, $0xFFFFFF80, v1  }
0x20: {  	v0 =	vsel vm2, $0xFFF80000, v0;
	v2 =	vand.u32 $0xFFFFFC00, v1  }
0x21: {  	v1 =	vand.u32 $0x380, v1;
	v0 =	vadd.s32 v0, v2  }
0x22: {  	v0 =	vor.u32 v1, v0  }
0x23: {  	v0 =	vshrl.u32 v0, $0x3;
	_ =	sdelay $0x3  }
0x24: {  	s13 =	simm.s32 $0x2080  }
0x25: {  	[tilespmem:s13], [sflag:$0x1] =	stream.indirect_vreg.gather [hbm:s7], $0x80, v0, vm0, $0x38;
	[tilespmem:$0x4080] =	vst v63  }
0x26: {  	s14 =	simm.s32 $0x2480;
	s31 =	simm.s32 $0x10  }
0x27: {  	[tilespmem:s14], [sflag:$0x1] =	stream.indirect_vreg.gather [hbm:s7], $0x80, v0, vm1, $0x38;
	[tilespmem:$0x4080] =	vst v63  }
0x28: {  	s14 =	simm.s32 $0x80;
	v0 =	vld.msk [tilespmem:s31+$0x40 ss:$0x1], $0xffff  }
.LBB2_5:
0x29: {  	p0 =	sne.s32 s14, $0xC0;
	_ =	sdelay $0x4  }
0x2a: {  	v1 =	vshll.u32 v0, $0x6  }
0x2b: {  	vm2 =	veq.s32 v0, $0x80000000;
	v0 =	vshll.u32 v0, $0x13;
	v1 =	vand.u32 $0x7FF80, v1  }
0x2c: {  	v0 =	vand.u32 $0x80000, v0;
	v1 =	vsel vm2, $0xFFFFFF80, v1  }
0x2d: {  	v0 =	vsel vm2, $0xFFF80000, v0;
	v2 =	vand.u32 $0xFFFFFC00, v1  }
0x2e: {  	v1 =	vand.u32 $0x380, v1;
	v0 =	vadd.s32 v0, v2  }
0x2f: {  	v0 =	vor.u32 v1, v0  }
0x30: {  	v0 =	vshrl.u32 v0, $0x3;
	_ =	sdelay $0x3  }
.Ltmp4:
0x31: {  	s13 =	sadd.s32 $0x800, s13;
	(pc) =	sbr.rel @p0 .LBB2_5-.Ltmp4, $4  }
0x32: {  	[tilespmem:s13], [sflag:$0x1] =	stream.indirect_vreg.gather [hbm:s7], $0x80, v0, vm0, $0x38;
	[tilespmem:$0x4080] =	vst v63  }
0x33: {  	s15 =	sshra.s32 s14, $0x2;
	s16 =	sadd.s32 $0x400, s13  }
0x34: {  	[tilespmem:s16], [sflag:$0x1] =	stream.indirect_vreg.gather [hbm:s7], $0x80, v0, vm1, $0x38;
	[tilespmem:$0x4080] =	vst v63  }
0x35: {  	s14 =	sadd.s32 $0x40, s14;
	v0 =	vld.msk [tilespmem:s15+$0x40 ss:$0x1], $0xffff  }
0x36: {  	_ =	sdelay $0x3  }
0x37: {  	v1 =	vshll.u32 v0, $0x6  }
0x38: {  	vm2 =	veq.s32 v0, $0x80000000;
	v63 =	vshll.u32 v0, $0x13;
	v1 =	vand.u32 $0x7FF80, v1  }
0x39: {  	v0 =	vand.u32 $0x80000, v63;
	v1 =	vsel vm2, $0xFFFFFF80, v1  }
0x3a: {  	v0 =	vsel vm2, $0xFFF80000, v0;
	v2 =	vand.u32 $0xFFFFFC00, v1  }
0x3b: {  	v1 =	vand.u32 $0x380, v1;
	v0 =	vadd.s32 v0, v2  }
0x3c: {  	v0 =	vor.u32 v1, v0  }
0x3d: {  	v0 =	vshrl.u32 v0, $0x3;
	_ =	sdelay $0x3  }
0x3e: {  	s13 =	sadd.s32 $0x800, s13  }
0x3f: {  	[tilespmem:s13], [sflag:$0x1] =	stream.indirect_vreg.gather [hbm:s7], $0x80, v0, vm0, $0x38;
	[tilespmem:$0x4080] =	vst v63  }
0x40: {  	s13 =	sadd.s32 $0x400, s13  }
0x41: {  	[tilespmem:s13], [sflag:$0x1] =	stream.indirect_vreg.gather [hbm:s7], $0x80, v0, vm1, $0x38;
	[tilespmem:$0x4080] =	vst v63  }
0x42: {  	s12 =	sshll.u32 s12, $0x4;
	s14 =	simm.s32 $0x80;
	_ =	swait.ge [sflag:s4], $0x2000  }
0x43: {  	s15 =	simm.s32 $0x2480;
	s12 =	sadd.s32 s12, s3;
	[sflag:s4] =	ssyncset.done $0x0  }
0x44: {  	s16 =	sadd.s32 $0x0, s12;
	s13 =	simm.s32 $0x2080;
	[sflag:s4] =	ssyncadd.s32 $0xFFFFE000  }
.LBB2_7:
0x45: {  	[hbm:s16] =	stream.linear.scatter [tilespmem:s13], [sflag:$0x3], $0x400, $0x38;
	[tilespmem:$0x4080] =	vst v63  }
0x46: {  	s16 =	smov.u32 s14;
	s13 =	smov.u32 s15;
	p0 =	sne.s32 s14, $0x380  }
.Ltmp5:
0x47: {  	s14 =	sadd.s32 $0x80, s14;
	(pc) =	sbr.rel @p0 .LBB2_7-.Ltmp5, $2  }
0x48: {  	_ =	sdelay $0x2  }
0x49: {  	s15 =	sadd.s32 $0x400, s15;
	s16 =	sadd.s32 s16, s12  }
.Ltmp6:
0x4a: {  	(pc) =	sbr.rel .LBB2_9-.Ltmp6, $2  }
0x4b: {  	_ =	sdelay $0x2  }
0x4c: {  	[hbm:s16] =	stream.linear.scatter [tilespmem:s13], [sflag:$0x3], $0x400, $0x38;
	[tilespmem:$0x4080] =	vst v63  }
.LBB2_2:
.Ltmp7:
0x4d: {  	(pc) =	sbr.rel .LBB2_10-.Ltmp7, $4  }
0x4e: {  	_ = 	snop  }
0x4f: {  	s12 =	sshrl.u32 s11, $0x3  }
0x50: {  	s13 =	sand.u32 $0x7, s11;
	s12 =	sadd.s32 s2, s12  }
0x51: {  	[tilespmem:s9], [sflag:$0x2] =	stream.linear.gather [hbm4b:s12+s13], $0x40, $0x38;
	[tilespmem:$0x4080] =	vst v63  }
.LBB2_11:
0x52: {  	s2 =	simm.s32 $0x3  }
0x53: {  	_ =	swait.ge [sflag:s2], $0x2000  }
0x54: {  	[sflag:s2] =	ssyncset.done $0x0  }
0x55: {  	[sflag:s2] =	ssyncadd.s32 $0xFFFFE000  }
0x56: {  	_ =	sfence.sel $0x180000  }
0x57: {  	s3 =	simm.s32 $0x2;
	[bflag:$0x0] =	sbarrier.arrive $0xFFFF  }
0x58: {  	[sflag:s3] =	ssyncpa.u1 $0x1  }
0x59: {  	s31 =	simm.s32 $0x1;
	[sflag:s2] =	ssyncpa.u1 $0x1  }
0x5a: {  	[sflag:s31] =	ssyncpa.u1 $0x1  }
0x5b: {  	p0 =	sne.s32 s1, $0x0;
	_ =	strace $0x9000004A  }
0x5c: {  	s0 =	sadd.s32 @!p0 $0x100000, s0;
	[bflag:$0x2] =	sbarrier.arrive $0xFFFF  }
0x5d: {  	[sflag:s0] =	ssyncadd.tile.s32 @!p0 $0x1;
	_ =	shalt  }
.Lfunc_end2:
_tile_overlayer_lowered:
.L_overlay_start_2:
0x5e: {  	(tag) =	ssettag $0x2  }
0x5f: {  	s0 =	rddreg [dreg:$0x0];
	s2 =	stileid.u32  }
0x60: {  	s1 =	rddreg [dreg:$0x1];
	p0 =	sne.s32 s2, $0x0  }
0x61: {  	s3 =	rddreg [dreg:$0x2];
	[bflag:$0x3] =	sbarrier.arrive $0xFFFF;
	s2 =	simm.s32 @!p0 $0x1C01  }
0x62: {  	[timem:s3], [sflag:s2] =	dma.local @!p0 [hbm:s0], s1  }
0x63: {  	s0 =	simm.s32 @!p0 $0x1  }
0x64: {  	_ =	swait.ge @!p0 [sflag:s0], s1  }
0x65: {  	s1 =	ssub.s32 @!p0 $0x0, s1;
	[sflag:s0] =	ssyncset.done @!p0 $0x0  }
0x66: {  	[sflag:s0] =	ssyncadd.s32 @!p0 s1  }
0x67: {  	[bflag:$0x3] =	sbarrier.arrive $0xFFFF  }
0x68: {  	_ =	shalt  }

// kernel: gather_offload_async_start
scs
__scs_entry_jumppad:
0x0: {  	(pc) =	sbr.rel $0x88, $3  }
0x1: {  	(tag) =	ssettag $0x0;
	lr =	simm.s32 $0x1  }
0x2: {  	[smem:$0x3F71] =	sst lr;
	_ =	strace $0xD0000000  }
0x3: {  	_ = 	snop  }
0x4: {  	_ = 	snop  }
0x5: {  	_ = 	snop  }
0x6: {  	_ = 	snop  }
0x7: {  	_ = 	snop  }
__scs_overlays_trampoline_lowered:
0x8: {  	[smem:$0x3F80] =	sst s0  }
0x9: {  	[smem:$0x3F81] =	sst s1  }
0xa: {  	[smem:$0x3F82] =	sst s2  }
0xb: {  	[smem:$0x3F83] =	sst s3  }
0xc: {  	[smem:$0x3F84] =	sst s4  }
0xd: {  	[smem:$0x3F85] =	sst s5  }
0xe: {  	[smem:$0x3F86] =	sst s6  }
0xf: {  	[smem:$0x3F87] =	sst s7  }
0x10: {  	[smem:$0x3F88] =	sst s8  }
0x11: {  	[smem:$0x3F89] =	sst s9;
	s0 =	simm.s32 @!p0 $0x0  }
0x12: {  	s1 =	sld [smem:$0x3F6F];
	s0 =	simm.s32 @p0 $0x1  }
0x13: {  	[smem:$0x3F8A] =	sst s0;
	s0 =	simm.s32 @!p1 $0x0  }
0x14: {  	s2 =	sld [smem:$0x3F6E];
	s0 =	simm.s32 @p1 $0x1  }
0x15: {  	[smem:$0x3F8B] =	sst s0;
	s0 =	simm.s32 @!p2 $0x0  }
0x16: {  	s3 =	sld [smem:$0x3FDB];
	s0 =	simm.s32 @p2 $0x1  }
0x17: {  	s4 =	simm.s32 $0x1BF5;
	[smem:$0x3F8D] =	sst s0  }
0x18: {  	s0 =	sld [smem:$0x3F70];
	_ =	swait.ge [sflag:s4], $0x0  }
0x19: {  	s7 =	sld [smem:$0x3F71]  }
0x1a: {  	s8 =	sadd.s32 $0xFFFFE003, lr  }
0x1b: {  	s9 =	sadd.s32 $0xFFFFFEF7, lr;
	s5 =	simm.s32 $0xFFFFFFFF;
	p2 =	slt.u32 s8, $0xFFFFF086  }
0x1c: {  	p1 =	slt.u32 s9, $0xF7A;
	s5 =	simm.s32 @!p2 $0x0  }
0x1d: {  	s5 =	simm.s32 @p1 $0x1;
	p0 =	seq.s32 s7, s2  }
0x1e: {  	s7 =	smul.u32 @!p0 $0xF7A, s2;
	p2 =	seq.s32 @!p0 s5, $0x0  }
0x1f: {  	s9 =	smul.u32 $0xF7A, s1;
	s8 =	simm.s32 @!p0 $0x1BF5;
	p2 =	por !p2, p0  }
0x20: {  	[sflag:s8] =	ssyncset.s32 @!p0 $0xFFFFF086;
	s6 =	sadd.s32 @!p0 s3, s7;
	s7 =	simm.s32 @!p0 $0x108  }
0x21: {  	s3 =	sadd.s32 s3, s9;
	s6 =	sadd.s32 @!p0 $0x88, s6;
	s7 =	simm.s32 @p2 $0x1082  }
0x22: {  	[simem:s7], [sflag:s8] =	dma.local @!p0 [hbm:s6], $0xF7A  }
0x23: {  	s9 =	sor.u32 $0xD0000000, s2;
	s6 =	simm.s32 $0x108;
	_ =	swait.ge @!p0 [sflag:s8], $0x0  }
0x24: {  	s3 =	sadd.s32 $0x88, s3;
	s6 =	simm.s32 @!p1 $0x1082;
	[sflag:s4] =	ssyncset.s32 $0xFFFFF086  }
0x25: {  	[simem:s6], [sflag:s4] =	dma.local [hbm:s3], $0xF7A  }
0x26: {  	[smem:$0x3F71] =	sst s1;
	(tag) =	ssettag s2;
	_ =	strace s9  }
0x27: {  	s1 =	sld [smem:$0x3F81]  }
0x28: {  	s2 =	sld [smem:$0x3F82]  }
0x29: {  	s4 =	sld [smem:$0x3F84]  }
0x2a: {  	p0 =	seq.s32 s5, $0x0;
	s5 =	sld [smem:$0x3F85]  }
0x2b: {  	s6 =	sld [smem:$0x3F86]  }
0x2c: {  	s7 =	sld [smem:$0x3F87]  }
0x2d: {  	s3 =	simm.s32 $0x108;
	s8 =	sld [smem:$0x3F88]  }
0x2e: {  	s3 =	simm.s32 @!p0 $0x1082;
	s9 =	sld [smem:$0x3F89]  }
0x2f: {  	lr =	sadd.s32 s0, s3;
	s0 =	sld [smem:$0x3F80]  }
0x30: {  	s3 =	sld [smem:$0x3F83]  }
0x31: {  	[smem:$0x3F8C] =	sst s10  }
0x32: {  	s10 =	sld [smem:$0x3F8A];
	_ =	sdelay $0x3  }
0x33: {  	p0 =	seq.s32 s10, $0x1;
	s10 =	sld [smem:$0x3F8C];
	_ =	sdelay $0x3  }
0x34: {  	[smem:$0x3F8C] =	sst s10  }
0x35: {  	s10 =	sld [smem:$0x3F8B];
	_ =	sdelay $0x3  }
0x36: {  	p1 =	seq.s32 s10, $0x1;
	s10 =	sld [smem:$0x3F8C];
	_ =	sdelay $0x3  }
0x37: {  	[smem:$0x3F8C] =	sst s10  }
0x38: {  	s10 =	sld [smem:$0x3F8D]  }
0x39: {  	_ = 	snop;
	(pc) =	sbr.ind lr, $3  }
0x3a: {  	_ = 	snop  }
0x3b: {  	_ = 	snop  }
0x3c: {  	p2 =	seq.s32 s10, $0x1;
	s10 =	sld [smem:$0x3F8C]  }
0x3d: {  	_ =	shalt  }
0x3e: {  	_ =	shalt  }
0x3f: {  	_ =	shalt  }
0x40: {  	_ =	shalt  }
0x41: {  	_ =	shalt  }
0x42: {  	_ =	shalt  }
0x43: {  	_ =	shalt  }
0x44: {  	_ =	shalt  }
0x45: {  	_ =	shalt  }
0x46: {  	_ =	shalt  }
0x47: {  	_ =	shalt  }
0x48: {  	_ =	shalt  }
0x49: {  	_ =	shalt  }
0x4a: {  	_ =	shalt  }
0x4b: {  	_ =	shalt  }
0x4c: {  	_ =	shalt  }
0x4d: {  	_ =	shalt  }
0x4e: {  	_ =	shalt  }
0x4f: {  	_ =	shalt  }
0x50: {  	_ =	shalt  }
0x51: {  	_ =	shalt  }
0x52: {  	_ =	shalt  }
0x53: {  	_ =	shalt  }
0x54: {  	_ =	shalt  }
0x55: {  	_ =	shalt  }
0x56: {  	_ =	shalt  }
0x57: {  	_ =	shalt  }
0x58: {  	_ =	shalt  }
0x59: {  	_ =	shalt  }
0x5a: {  	_ =	shalt  }
0x5b: {  	_ =	shalt  }
0x5c: {  	_ =	shalt  }
0x5d: {  	_ =	shalt  }
0x5e: {  	_ =	shalt  }
0x5f: {  	_ =	shalt  }
0x60: {  	_ =	shalt  }
0x61: {  	_ =	shalt  }
0x62: {  	_ =	shalt  }
0x63: {  	_ =	shalt  }
0x64: {  	_ =	shalt  }
0x65: {  	_ =	shalt  }
0x66: {  	_ =	shalt  }
0x67: {  	_ =	shalt  }
0x68: {  	_ =	shalt  }
0x69: {  	_ =	shalt  }
0x6a: {  	_ =	shalt  }
0x6b: {  	_ =	shalt  }
0x6c: {  	_ =	shalt  }
0x6d: {  	_ =	shalt  }
0x6e: {  	_ =	shalt  }
0x6f: {  	_ =	shalt  }
0x70: {  	_ =	shalt  }
0x71: {  	_ =	shalt  }
0x72: {  	_ =	shalt  }
0x73: {  	_ =	shalt  }
0x74: {  	_ =	shalt  }
0x75: {  	_ =	shalt  }
0x76: {  	_ =	shalt  }
0x77: {  	_ =	shalt  }
0x78: {  	_ =	shalt  }
0x79: {  	_ =	shalt  }
0x7a: {  	_ =	shalt  }
0x7b: {  	_ =	shalt  }
0x7c: {  	_ =	shalt  }
0x7d: {  	_ =	shalt  }
0x7e: {  	_ =	shalt  }
0x7f: {  	_ =	shalt  }
0x80: {  	_ =	shalt  }
0x81: {  	_ =	shalt  }
0x82: {  	_ =	shalt  }
0x83: {  	_ =	shalt  }
0x84: {  	_ =	shalt  }
0x85: {  	_ =	shalt  }
0x86: {  	_ =	shalt  }
0x87: {  	_ =	shalt  }
.Lfunc_end0:
.L_simem_size_0:
called_computation_lowered:
.L_overlay_start_0:
0x88: {  	s2 =	sld [smem:$0x3FD9]  }
0x89: {  	s3 =	sld [smem:$0x3FFE];
	_ =	sdelay $0x1  }
0x8a: {  	s1 =	srdreg.scid  }
0x8b: {  	s0 =	sand.u32 $0x1, s1  }
0x8c: {  	s14 =	sshll.u32 s0, $0xA;
	s2 =	sadd.s32 s3, s2  }
0x8d: {  	s2 =	sadd.s32 s2, s14  }
0x8e: {  	[smem:$0x3F98] =	sst s2  }
0x8f: {  	_ = 	snop  }
0x90: {  	s2 =	sld [smem:$0x3FD0];
	_ =	sdelay $0x2  }
0x91: {  	s15 =	simm.s32 $0xA;
	s4 =	simm.s32 $0x10  }
0x92: {  	[smem:s4], [sflag:s15] =	dma.local [hbm:s2], $0x1  }
0x93: {  	_ =	swait.eq [sflag:s15], $0x1  }
0x94: {  	[sflag:s15] =	ssyncset.done $0x0  }
0x95: {  	[sflag:s15] =	ssyncadd.s32 $0xFFFFFFFF  }
0x96: {  	s16 =	sld [smem:$0x12];
	(tm) =	ssettm $0x1  }
0x97: {  	s17 =	sld [smem:$0x3FFB];
	_ =	sdelay $0x3  }
0x98: {  	_ =	strace s17  }
0x99: {  	s3 =	sld [smem:$0x3FFC];
	_ =	sdelay $0x3  }
0x9a: {  	_ =	strace s3  }
0x9b: {  	s3 =	sld [smem:$0x3FFD];
	_ =	sdelay $0x3  }
0x9c: {  	_ =	strace s3  }
0x9d: {  	_ =	strace $0x8FFFFFFF  }
0x9e: {  	s18 =	sld [smem:$0x3FDB];
	_ =	sdelay $0x1  }
0x9f: {  	s19 =	simm.s32 $_scs_section_size  }
0xa0: {  	s5 =	simm.s32 $_size__tile_overlayer_lowered;
	s6 =	simm.s32 $_tile_overlayer_lowered  }
0xa1: {  	s22 =	simm.s32 $0x1BFF;
	s21 =	sshll.u32 s6, $0x1;
	s3 =	sadd.s32 s19, s18  }
0xa2: {  	s7 =	simm.s32 $0x0;
	s20 =	sshll.u32 s5, $0x1;
	s5 =	sadd.s32 s21, s3  }
0xa3: {  	[timem:s7], [sflag:s22] =	dma.local [hbm:s5], s20  }
0xa4: {  	_ =	swait.ge [sflag:s22], s20  }
0xa5: {  	s4 =	ssub.s32 $0x0, s20;
	[sflag:s22] =	ssyncset.done $0x0  }
0xa6: {  	[sflag:s22] =	ssyncadd.s32 s4;
	_ =	sdelay $0x1  }
0xa7: {  	s23 =	simm.s32 $0x1B8B  }
0xa8: {  	_ =	swait.ge [sflag:s23], $0x1  }
0xa9: {  	[sflag:s23] =	ssyncset.done $0x0  }
0xaa: {  	s25 =	simm.s32 $0x1B8E;
	s24 =	sld [smem:$0x3FFE];
	[sflag:s23] =	ssyncadd.s32 $0xFFFFFFFF  }
0xab: {  	s26 =	simm.s32 $execute0_lowered;
	[smem:$0x3FD2] =	sst s25  }
0xac: {  	s5 =	sshll.u32 s26, $0x1;
	_ =	strace $0x80000046;
	[dreg:$0x1] =	wrdreg $0xFFFFFFFF  }
0xad: {  	s28 =	simm.s32 $_size_execute0_lowered;
	s3 =	sadd.s32 s3, s5;
	[dreg:$0x0] =	wrdreg $0x0  }
0xae: {  	s5 =	sshll.u32 s28, $0x1;
	[dreg:$0x2] =	wrdreg s3  }
0xaf: {  	[dreg:$0x3] =	wrdreg s5  }
0xb0: {  	[dreg:$0x4] =	wrdreg $0xC0  }
0xb1: {  	_ =	task [dreg:s7], $0x5FFFF  }
0xb2: {  	[dreg:$0x1] =	wrdreg $0xFFFFFFFF  }
0xb3: {  	[dreg:$0x0] =	wrdreg $0x60  }
0xb4: {  	[dreg:$0x2] =	wrdreg s24  }
0xb5: {  	[dreg:$0x3] =	wrdreg s16  }
0xb6: {  	[dreg:$0x4] =	wrdreg $0x9  }
0xb7: {  	_ =	task.clear_ibuf [dreg:s7], $0x5FFFF;
	_ =	strace $0x90000046  }
0xb8: {  	s29 =	simm.s32 $0x9;
	_ =	strace $0x80000048  }
0xb9: {  	_ =	swait.ge [sflag:s29], $0x1  }
0xba: {  	[sflag:s29] =	ssyncadd.s32 $0xFFFFFFFF  }
0xbb: {  	_ =	strace $0x90000048  }
0xbc: {  	_ =	sfence  }
0xbd: {  	s30 =	sld [smem:$0x0];
	_ =	sdelay $0x2  }
0xbe: {  	s31 =	sshll.u32 s1, $0xD;
	s1 =	sshrl.u32 s1, $0x2  }
0xbf: {  	s3 =	sand.u32 $0x4000, s31;
	s1 =	sadd.s32 s1, s30  }
0xc0: {  	s0 =	sor.u32 s3, s0;
	s1 =	sshll.u32 s1, $0x11  }
0xc1: {  	s0 =	sor.u32 s1, s0  }
0xc2: {  	s0 =	sadd.s32 $0x8F2B, s0  }
0xc3: {  	[sflag:s0] =	ssyncadd.remote.s32 $0x1  }
0xc4: {  	_ =	sfence.sel $0xFFFF  }
0xc5: {  	[dreg:$0x0] =	wrdreg $0xFFFFFFFF;
	(pc) =	sbr.abs _section_cstart, $3  }
0xc6: {  	[dreg:$0x1] =	wrdreg $0xFFFFFFFF  }
0xc7: {  	_ =	task.clear_ibuf [dreg:s7], $0x2FFFF;
	_ =	strace $0x9FFFFFFF  }
0xc8: {  	(tm) =	ssettm $0x7FFFFFFF  }
0xc9: {  	_ =	shalt  }
tec
execute0_lowered:
.L_overlay_start_1:
0x0: {  	(tag) =	ssettag $0x1  }
0x1: {  	s2 =	rddreg [dreg:$0x0]  }
0x2: {  	s3 =	rddreg [dreg:$0x1]  }
0x3: {  	s0 =	rddreg [dreg:$0x2];
	s1 =	srdreg.scid;
	_ =	strace $0x80000047  }
0x4: {  	s4 =	simm.s32 $0x1;
	s9 =	simm.s32 $0x3;
	s5 =	sshll.u32 s1, $0x4  }
.Ltmp0:
0x5: {  	s1 =	stileid.u32;
	s5 =	sand.u32 $0x10, s5;
	(pc) =	sbr.rel .LBB2_1-.Ltmp0, $4  }
0x6: {  	s12 =	simm.s32 $0x0;
	s10 =	simm.s32 $0x0;
	s6 =	sor.u32 s1, s5  }
0x7: {  	[sflag:s4] =	ssyncpa.u1 $0x0;
	s5 =	simm.s32 $0x2;
	s6 =	sshll.u32 s6, $0x8  }
0x8: {  	s7 =	sadd.s32 $0x80000, s2;
	[sflag:s5] =	ssyncpa.u1 $0x0;
	s8 =	sadd.s32 $0x100, s6  }
0x9: {  	vm0 =	vmmov $0xff;
	vm1 =	vcmask $0x3F20;
	[sflag:s9] =	ssyncpa.u1 $0x0;
	s9 =	simm.s32 $0x100;
	s11 =	smov.u32 s6  }
.LBB2_9:
0xa: {  	p0 =	seq.s32 s10, $0x2  }
.Ltmp1:
0xb: {  	_ = 	snop;
	(pc) =	sbr.rel @p0 .LBB2_11-.Ltmp1, $1  }
0xc: {  	_ =	sdelay $0x3  }
.LBB2_10:
0xd: {  	s12 =	sadd.s32 $0x100, s11  }
0xe: {  	s13 =	smov.u32 s6;
	p0 =	slt.s32 s12, s8  }
0xf: {  	s13 =	smov.u32 @p0 s12  }
0x10: {  	s10 =	sadd.s32 $0x1, s10;
	s12 =	smov.u32 s11;
	s11 =	smov.u32 s13  }
.LBB2_1:
0x11: {  	p0 =	sne.s32 s10, $0x0  }
.Ltmp2:
0x12: {  	_ = 	snop;
	(pc) =	sbr.rel @!p0 .LBB2_2-.Ltmp2, $1  }
0x13: {  	_ =	sdelay $0x3  }
0x14: {  	s13 =	sand.u32 $0x1, s10  }
0x15: {  	p0 =	seq.s32 s13, $0x0  }
.Ltmp3:
0x16: {  	_ = 	snop;
	(pc) =	sbr.rel @p0 .LBB2_9-.Ltmp3, $1  }
0x17: {  	_ =	sdelay $0x3  }
0x18: {  	_ =	swait.ge [sflag:s5], $0x100  }
0x19: {  	[sflag:s5] =	ssyncset.done $0x0  }
0x1a: {  	s13 =	simm.s32 $0x0;
	[sflag:s5] =	ssyncadd.s32 $0xFFFFFF00  }
0x1b: {  	v0 =	vld.msk [tilespmem:s13+$0x100 ss:$0x1], $0xffff;
	_ =	sdelay $0x4  }
0x1c: {  	v1 =	vshll.u32 v0, $0x6  }
0x1d: {  	vm2 =	veq.s32 v0, $0x80000000;
	v0 =	vshll.u32 v0, $0x15;
	v1 =	vand.u32 $0x1FFF80, v1  }
0x1e: {  	v0 =	vand.u32 $0x200000, v0;
	v1 =	vsel vm2, $0xFFFFFF80, v1  }
0x1f: {  	v0 =	vsel vm2, $0xFFE00000, v0;
	v2 =	vand.u32 $0xFFFFFC00, v1  }
0x20: {  	v1 =	vand.u32 $0x380, v1;
	v0 =	vadd.s32 v0, v2  }
0x21: {  	v0 =	vor.u32 v1, v0  }
0x22: {  	v0 =	vshrl.u32 v0, $0x3;
	_ =	sdelay $0x3  }
0x23: {  	s13 =	simm.s32 $0x8200  }
0x24: {  	[tilespmem:s13], [sflag:$0x1] =	stream.indirect_vreg.gather [hbm:s2], $0x80, v0, vm0, $0x38;
	[tilespmem:$0x10200] =	vst v63  }
0x25: {  	s14 =	simm.s32 $0x8600;
	s31 =	simm.s32 $0x10  }
0x26: {  	[tilespmem:s14], [sflag:$0x1] =	stream.indirect_vreg.gather [hbm:s2], $0x80, v0, vm1, $0x38;
	[tilespmem:$0x10200] =	vst v63  }
0x27: {  	s14 =	simm.s32 $0x80;
	v0 =	vld.msk [tilespmem:s31+$0x100 ss:$0x1], $0xffff  }
.LBB2_5:
0x28: {  	p0 =	sne.s32 s14, $0x3C0;
	_ =	sdelay $0x4  }
0x29: {  	v1 =	vshll.u32 v0, $0x6  }
0x2a: {  	vm2 =	veq.s32 v0, $0x80000000;
	v0 =	vshll.u32 v0, $0x15;
	v1 =	vand.u32 $0x1FFF80, v1  }
0x2b: {  	v0 =	vand.u32 $0x200000, v0;
	v1 =	vsel vm2, $0xFFFFFF80, v1  }
0x2c: {  	v0 =	vsel vm2, $0xFFE00000, v0;
	v2 =	vand.u32 $0xFFFFFC00, v1  }
0x2d: {  	v1 =	vand.u32 $0x380, v1;
	v0 =	vadd.s32 v0, v2  }
0x2e: {  	v0 =	vor.u32 v1, v0  }
0x2f: {  	v0 =	vshrl.u32 v0, $0x3;
	_ =	sdelay $0x3  }
.Ltmp4:
0x30: {  	s13 =	sadd.s32 $0x800, s13;
	(pc) =	sbr.rel @p0 .LBB2_5-.Ltmp4, $4  }
0x31: {  	[tilespmem:s13], [sflag:$0x1] =	stream.indirect_vreg.gather [hbm:s2], $0x80, v0, vm0, $0x38;
	[tilespmem:$0x10200] =	vst v63  }
0x32: {  	s15 =	sshra.s32 s14, $0x2;
	s16 =	sadd.s32 $0x400, s13  }
0x33: {  	[tilespmem:s16], [sflag:$0x1] =	stream.indirect_vreg.gather [hbm:s2], $0x80, v0, vm1, $0x38;
	[tilespmem:$0x10200] =	vst v63  }
0x34: {  	s14 =	sadd.s32 $0x40, s14;
	v0 =	vld.msk [tilespmem:s15+$0x100 ss:$0x1], $0xffff  }
0x35: {  	_ =	sdelay $0x3  }
0x36: {  	v1 =	vshll.u32 v0, $0x6  }
0x37: {  	vm2 =	veq.s32 v0, $0x80000000;
	v63 =	vshll.u32 v0, $0x15;
	v1 =	vand.u32 $0x1FFF80, v1  }
0x38: {  	v0 =	vand.u32 $0x200000, v63;
	v1 =	vsel vm2, $0xFFFFFF80, v1  }
0x39: {  	v0 =	vsel vm2, $0xFFE00000, v0;
	v2 =	vand.u32 $0xFFFFFC00, v1  }
0x3a: {  	v1 =	vand.u32 $0x380, v1;
	v0 =	vadd.s32 v0, v2  }
0x3b: {  	v0 =	vor.u32 v1, v0  }
0x3c: {  	v0 =	vshrl.u32 v0, $0x3;
	_ =	sdelay $0x3  }
0x3d: {  	s13 =	sadd.s32 $0x800, s13  }
0x3e: {  	[tilespmem:s13], [sflag:$0x1] =	stream.indirect_vreg.gather [hbm:s2], $0x80, v0, vm0, $0x38;
	[tilespmem:$0x10200] =	vst v63  }
0x3f: {  	s13 =	sadd.s32 $0x400, s13  }
0x40: {  	[tilespmem:s13], [sflag:$0x1] =	stream.indirect_vreg.gather [hbm:s2], $0x80, v0, vm1, $0x38;
	[tilespmem:$0x10200] =	vst v63  }
0x41: {  	s12 =	sshll.u32 s12, $0x4;
	s14 =	simm.s32 $0x80;
	_ =	swait.ge [sflag:s4], $0x8000  }
0x42: {  	s15 =	simm.s32 $0x8600;
	s12 =	sadd.s32 s12, s7;
	[sflag:s4] =	ssyncset.done $0x0  }
0x43: {  	s16 =	sadd.s32 $0x0, s12;
	s13 =	simm.s32 $0x8200;
	[sflag:s4] =	ssyncadd.s32 $0xFFFF8000  }
.LBB2_7:
0x44: {  	[hbm:s16] =	stream.linear.scatter [tilespmem:s13], [sflag:$0x3], $0x400, $0x38;
	[tilespmem:$0x10200] =	vst v63  }
0x45: {  	s16 =	smov.u32 s14;
	s13 =	smov.u32 s15;
	p0 =	sne.s32 s14, $0xF80  }
.Ltmp5:
0x46: {  	s14 =	sadd.s32 $0x80, s14;
	(pc) =	sbr.rel @p0 .LBB2_7-.Ltmp5, $2  }
0x47: {  	_ =	sdelay $0x2  }
0x48: {  	s15 =	sadd.s32 $0x400, s15;
	s16 =	sadd.s32 s16, s12  }
.Ltmp6:
0x49: {  	(pc) =	sbr.rel .LBB2_9-.Ltmp6, $2  }
0x4a: {  	_ =	sdelay $0x2  }
0x4b: {  	[hbm:s16] =	stream.linear.scatter [tilespmem:s13], [sflag:$0x3], $0x400, $0x38;
	[tilespmem:$0x10200] =	vst v63  }
.LBB2_2:
.Ltmp7:
0x4c: {  	(pc) =	sbr.rel .LBB2_10-.Ltmp7, $4  }
0x4d: {  	_ = 	snop  }
0x4e: {  	s12 =	sshrl.u32 s11, $0x3  }
0x4f: {  	s13 =	sand.u32 $0x7, s11;
	s12 =	sadd.s32 s3, s12  }
0x50: {  	[tilespmem:s9], [sflag:$0x2] =	stream.linear.gather [hbm4b:s12+s13], $0x100, $0x38;
	[tilespmem:$0x10200] =	vst v63  }
.LBB2_11:
0x51: {  	s2 =	simm.s32 $0x3  }
0x52: {  	_ =	swait.ge [sflag:s2], $0x8000  }
0x53: {  	[sflag:s2] =	ssyncset.done $0x0  }
0x54: {  	[sflag:s2] =	ssyncadd.s32 $0xFFFF8000  }
0x55: {  	_ =	sfence.sel $0x180000  }
0x56: {  	s3 =	simm.s32 $0x2;
	[bflag:$0x0] =	sbarrier.arrive $0xFFFF  }
0x57: {  	[sflag:s3] =	ssyncpa.u1 $0x1  }
0x58: {  	s31 =	simm.s32 $0x1;
	[sflag:s2] =	ssyncpa.u1 $0x1  }
0x59: {  	[sflag:s31] =	ssyncpa.u1 $0x1  }
0x5a: {  	p0 =	sne.s32 s1, $0x0;
	_ =	strace $0x90000047  }
0x5b: {  	s0 =	sadd.s32 @!p0 $0x100000, s0;
	[bflag:$0x2] =	sbarrier.arrive $0xFFFF  }
0x5c: {  	[sflag:s0] =	ssyncadd.tile.s32 @!p0 $0x1;
	_ =	shalt  }
.Lfunc_end2:
_tile_overlayer_lowered:
.L_overlay_start_2:
0x5d: {  	(tag) =	ssettag $0x2  }
0x5e: {  	s0 =	rddreg [dreg:$0x0];
	s2 =	stileid.u32  }
0x5f: {  	s1 =	rddreg [dreg:$0x1];
	p0 =	sne.s32 s2, $0x0  }
0x60: {  	s3 =	rddreg [dreg:$0x2];
	[bflag:$0x3] =	sbarrier.arrive $0xFFFF;
	s2 =	simm.s32 @!p0 $0x1C01  }
0x61: {  	[timem:s3], [sflag:s2] =	dma.local @!p0 [hbm:s0], s1  }
0x62: {  	s0 =	simm.s32 @!p0 $0x1  }
0x63: {  	_ =	swait.ge @!p0 [sflag:s0], s1  }
0x64: {  	s1 =	ssub.s32 @!p0 $0x0, s1;
	[sflag:s0] =	ssyncset.done @!p0 $0x0  }
0x65: {  	[sflag:s0] =	ssyncadd.s32 @!p0 s1  }
0x66: {  	[bflag:$0x3] =	sbarrier.arrive $0xFFFF  }
0x67: {  	_ =	shalt  }

</sc_bundles>
